<compile_context>
chip_gen: v7x
topology: tpu7x:2x2x1
jax: 0.10.2.dev20260603
libtpu: 0.0.44.dev20260713+nightly
codegen_flags: <defaults>
</compile_context>

<pallas_src>
import dataclasses
import functools

import jax
import jax.numpy as jnp
from jax import lax
from jax.experimental import pallas as pl
from jax.experimental.pallas import tpu as pltpu
from jax.experimental.pallas import tpu_sc as plsc

R = 4096
C = 1000
K = 200
L = 16
NW = 32
ROWS_PER_W = R // NW
BLK = 16
NB = ROWS_PER_W // BLK
JU = 8


def _sc_gather_t(x, idxt):
    mesh = plsc.VectorSubcoreMesh(core_axis_name="c", subcore_axis_name="s")
    cp = pltpu.CompilerParams()
    if "needs_layout_passes" in pltpu.CompilerParams.__dataclass_fields__:
        cp = dataclasses.replace(cp, needs_layout_passes=False)

    @functools.partial(
        pl.kernel,
        out_type=jax.ShapeDtypeStruct((K, R), jnp.float32),
        mesh=mesh,
        compiler_params=cp,
        scratch_types=[
            pltpu.VMEM((BLK, C), jnp.float32),
            pltpu.VMEM((BLK, C), jnp.float32),
            pltpu.VMEM((K, ROWS_PER_W), jnp.int32),
            pltpu.VMEM((K, ROWS_PER_W), jnp.float32),
            pltpu.SemaphoreType.DMA,
            pltpu.SemaphoreType.DMA,
        ],
    )
    def k(x_hbm, i_hbm, o_hbm, xv0, xv1, iv, ov, sx0, sx1):
        wid = lax.axis_index("s") * 2 + lax.axis_index("c")
        row0 = wid * ROWS_PER_W
        iota = lax.iota(jnp.int32, L)

        def x_cp(b, buf, sem):
            return pltpu.make_async_copy(
                x_hbm.at[pl.ds(row0 + b * BLK, BLK)], buf, sem)

        def gather_block(b, buf):
            @pl.loop(0, K // JU)
            def _(jb):
                j0 = jb * JU
                for dj in range(JU):
                    cols = iv[j0 + dj, pl.ds(b * BLK, L)]
                    ov[j0 + dj, pl.ds(b * BLK, L)] = plsc.load_gather(
                        buf, [iota, cols])

        x_cp(0, xv0, sx0).start()
        pltpu.sync_copy(i_hbm.at[pl.ds(0, K), pl.ds(row0, ROWS_PER_W)], iv)

        @pl.loop(0, NB // 2)
        def _(g):
            b0 = 2 * g
            x_cp(b0 + 1, xv1, sx1).start()
            x_cp(b0, xv0, sx0).wait()
            gather_block(b0, xv0)

            @pl.when(b0 + 2 < NB)
            def _():
                x_cp(b0 + 2, xv0, sx0).start()

            x_cp(b0 + 1, xv1, sx1).wait()
            gather_block(b0 + 1, xv1)

        pltpu.sync_copy(ov, o_hbm.at[pl.ds(0, K), pl.ds(row0, ROWS_PER_W)])

    return k(x, idxt)


def kernel(x, indices):
    idxt = indices.astype(jnp.int32).T
    out_t = _sc_gather_t(x, idxt)
    return out_t.T

# --- scband reference (transcript-rebuilt; emitter-appended) ---
"""Pipeline reference for scband-gather-model-86878598463859 (READ-ONLY COPY).

The authoritative reference and input builder live on the scoring server;
editing this copy changes nothing except your own understanding.
"""

import jax, jax.numpy as jnp
import numpy as np

def setup_inputs(seed: int = 0) -> dict:
    key = jax.random.key(seed)
    k1, k2 = jax.random.split(key)
    x = jax.random.normal(k1, (4096, 1000), dtype=jnp.float32)
    indices = jax.random.randint(k2, (4096, 200), 0, 1000, dtype=jnp.int64)
    return {"x": x, "indices": indices}

def reference(x, indices):
    # torch.gather(x, dim=1, index=indices) -> take_along_axis on axis 1
    return jnp.take_along_axis(x, indices, axis=1)

if __name__ == "__main__":
    import jax
    _d = setup_inputs()
    print(jax.jit(kernel)(*tuple(_d.values())))

</pallas_src>

<mosaic_0001>
#map = affine_map<(d0, d1) -> (0, 0)>
module attributes {stable_mosaic.version = 14 : i64} {
  func.func @k(%arg0: i32, %arg1: i32, %arg2: memref<4096x1000xf32, #tpu.memory_space<hbm>>, %arg3: memref<200x4096xi32, #tpu.memory_space<hbm>>, %arg4: memref<200x4096xf32, #tpu.memory_space<hbm>>, %arg5: memref<16x1000xf32, #tpu.memory_space<vmem>>, %arg6: memref<16x1000xf32, #tpu.memory_space<vmem>>, %arg7: memref<200x128xi32, #tpu.memory_space<vmem>>, %arg8: memref<200x128xf32, #tpu.memory_space<vmem>>, %arg9: memref<!tpu.dma_semaphore, #tpu.memory_space<semaphore_mem>>, %arg10: memref<!tpu.dma_semaphore, #tpu.memory_space<semaphore_mem>>) attributes {dimension_semantics = [#tpu.dimension_semantics<core_parallel>, #tpu.dimension_semantics<subcore_parallel>], iteration_bounds = array<i64: 2, 16>, scalar_prefetch = 0 : i64, scratch_operands = 6 : i64, tpu.core_type = #tpu.core_type<sc_vector_subcore>, window_params = [{transform_indices = #map}, {transform_indices = #map}, {transform_indices = #map}]} {
    %mul3A = arith.constant 2 : i32
    %mul3A_0 = arith.muli %arg1, %mul3A : i32
    %add3A = arith.addi %mul3A_0, %arg0 : i32
    %mul3A_1 = arith.constant 128 : i32
    %mul3A_2 = arith.muli %add3A, %mul3A_1 : i32
    %iota3A = tpu.iota {dimensions = array<i32: 0>} : vector<16xi32>
    %add3A_3 = arith.constant 0 : i32
    %add3A_4 = arith.addi %mul3A_2, %add3A_3 : i32
    %dma_start3A = arith.constant 0 : i32
    %dma_start3A_5 = tpu.memref_slice %arg2[%add3A_4, %dma_start3A] : memref<4096x1000xf32, #tpu.memory_space<hbm>> -> memref<16x1000xf32, #tpu.memory_space<hbm>>
    %dma_start3A_6 = arith.constant 0 : i32
    %dma_start3A_7 = tpu.memref_slice %arg2[%add3A_4, %dma_start3A_6] : memref<4096x1000xf32, #tpu.memory_space<hbm>> -> memref<16x1000xf32, #tpu.memory_space<hbm>>
    tpu.enqueue_dma source(%dma_start3A_7 : memref<16x1000xf32, #tpu.memory_space<hbm>>) target(%arg5 : memref<16x1000xf32, #tpu.memory_space<vmem>>) target_semaphore(%arg9 : memref<!tpu.dma_semaphore, #tpu.memory_space<semaphore_mem>>)
    "tpu.region"() ({
      %run_scoped3A = tpu.sem_alloc : memref<!tpu.dma_semaphore, #tpu.memory_space<semaphore_mem>>
      %dma_start3A_12 = arith.constant 0 : i32
      %dma_start3A_13 = tpu.memref_slice %arg3[%dma_start3A_12, %mul3A_2] : memref<200x4096xi32, #tpu.memory_space<hbm>> -> memref<200x128xi32, #tpu.memory_space<hbm>>
      %dma_start3A_14 = arith.constant 0 : i32
      %dma_start3A_15 = tpu.memref_slice %arg3[%dma_start3A_14, %mul3A_2] : memref<200x4096xi32, #tpu.memory_space<hbm>> -> memref<200x128xi32, #tpu.memory_space<hbm>>
      tpu.enqueue_dma source(%dma_start3A_15 : memref<200x128xi32, #tpu.memory_space<hbm>>) target(%arg7 : memref<200x128xi32, #tpu.memory_space<vmem>>) target_semaphore(%run_scoped3A : memref<!tpu.dma_semaphore, #tpu.memory_space<semaphore_mem>>)
      %dma_wait3A = arith.constant 0 : i32
      %dma_wait3A_16 = tpu.memref_slice %arg3[%dma_wait3A, %mul3A_2] : memref<200x4096xi32, #tpu.memory_space<hbm>> -> memref<200x128xi32, #tpu.memory_space<hbm>>
      %dma_wait3A_17 = arith.constant 0 : i32
      %dma_wait3A_18 = tpu.memref_slice %arg3[%dma_wait3A_17, %mul3A_2] : memref<200x4096xi32, #tpu.memory_space<hbm>> -> memref<200x128xi32, #tpu.memory_space<hbm>>
      tpu.wait_dma2 semaphore(%run_scoped3A : memref<!tpu.dma_semaphore, #tpu.memory_space<semaphore_mem>>) src(%dma_wait3A_18 : memref<200x128xi32, #tpu.memory_space<hbm>>) dst(%arg7 : memref<200x128xi32, #tpu.memory_space<vmem>>)
      tpu.yield
    }) : () -> ()
    %scan3A = arith.constant 0 : i32
    %scan3A_8 = arith.constant 4 : i32
    %scan3A_9 = arith.addi %scan3A, %scan3A_8 : i32
    %scan3A_10 = arith.constant 1 : i32
    scf.for %scan3A_12 = %scan3A to %scan3A_9 step %scan3A_10  : i32 {
      %mul3A_13 = arith.constant 1 : i32
      %mul3A_14 = arith.muli %scan3A_12, %mul3A_13 : i32
      %add3A_15 = arith.constant 0 : i32
      %add3A_16 = arith.addi %add3A_15, %mul3A_14 : i32
      %mul3A_17 = arith.constant 2 : i32
      %mul3A_18 = arith.muli %mul3A_17, %add3A_16 : i32
      %add3A_19 = arith.constant 1 : i32
      %add3A_20 = arith.addi %mul3A_18, %add3A_19 : i32
      %mul3A_21 = arith.constant 16 : i32
      %mul3A_22 = arith.muli %add3A_20, %mul3A_21 : i32
      %add3A_23 = arith.addi %mul3A_2, %mul3A_22 : i32
      %dma_start3A_24 = arith.constant 0 : i32
      %dma_start3A_25 = tpu.memref_slice %arg2[%add3A_23, %dma_start3A_24] : memref<4096x1000xf32, #tpu.memory_space<hbm>> -> memref<16x1000xf32, #tpu.memory_space<hbm>>
      %dma_start3A_26 = arith.constant 0 : i32
      %dma_start3A_27 = tpu.memref_slice %arg2[%add3A_23, %dma_start3A_26] : memref<4096x1000xf32, #tpu.memory_space<hbm>> -> memref<16x1000xf32, #tpu.memory_space<hbm>>
      tpu.enqueue_dma source(%dma_start3A_27 : memref<16x1000xf32, #tpu.memory_space<hbm>>) target(%arg6 : memref<16x1000xf32, #tpu.memory_space<vmem>>) target_semaphore(%arg10 : memref<!tpu.dma_semaphore, #tpu.memory_space<semaphore_mem>>)
      %mul3A_28 = arith.constant 16 : i32
      %mul3A_29 = arith.muli %mul3A_18, %mul3A_28 : i32
      %add3A_30 = arith.addi %mul3A_2, %mul3A_29 : i32
      %dma_wait3A = arith.constant 0 : i32
      %dma_wait3A_31 = tpu.memref_slice %arg2[%add3A_30, %dma_wait3A] : memref<4096x1000xf32, #tpu.memory_space<hbm>> -> memref<16x1000xf32, #tpu.memory_space<hbm>>
      %dma_wait3A_32 = arith.constant 0 : i32
      %dma_wait3A_33 = tpu.memref_slice %arg2[%add3A_30, %dma_wait3A_32] : memref<4096x1000xf32, #tpu.memory_space<hbm>> -> memref<16x1000xf32, #tpu.memory_space<hbm>>
      tpu.wait_dma2 semaphore(%arg9 : memref<!tpu.dma_semaphore, #tpu.memory_space<semaphore_mem>>) src(%dma_wait3A_33 : memref<16x1000xf32, #tpu.memory_space<hbm>>) dst(%arg5 : memref<16x1000xf32, #tpu.memory_space<vmem>>)
      %scan3A_34 = arith.constant 0 : i32
      %scan3A_35 = arith.constant 25 : i32
      %scan3A_36 = arith.addi %scan3A_34, %scan3A_35 : i32
      %scan3A_37 = arith.constant 1 : i32
      scf.for %scan3A_59 = %scan3A_34 to %scan3A_36 step %scan3A_37  : i32 {
        %mul3A_60 = arith.constant 1 : i32
        %mul3A_61 = arith.muli %scan3A_59, %mul3A_60 : i32
        %add3A_62 = arith.constant 0 : i32
        %add3A_63 = arith.addi %add3A_62, %mul3A_61 : i32
        %mul3A_64 = arith.constant 8 : i32
        %mul3A_65 = arith.muli %add3A_63, %mul3A_64 : i32
        %add3A_66 = arith.constant 0 : i32
        %add3A_67 = arith.addi %mul3A_65, %add3A_66 : i32
        %mul3A_68 = arith.constant 16 : i32
        %mul3A_69 = arith.muli %mul3A_18, %mul3A_68 : i32
        %get3A = arith.index_cast %add3A_67 : i32 to index
        %get3A_70 = arith.index_cast %mul3A_69 : i32 to index
        %get3A_71 = tpu.vector_load %arg7[%get3A, %get3A_70] {strides = array<i32>} : memref<200x128xi32, #tpu.memory_space<vmem>>, vector<16xi32>,
        %gather3A = tpu.vector_load_idx %arg5[%iota3A, %get3A_71] : memref<16x1000xf32, #tpu.memory_space<vmem>>[vector<16xi32>, vector<16xi32>], vector<16xf32>,
        %add3A_72 = arith.constant 0 : i32
        %add3A_73 = arith.addi %mul3A_65, %add3A_72 : i32
        %mul3A_74 = arith.constant 16 : i32
        %mul3A_75 = arith.muli %mul3A_18, %mul3A_74 : i32
        %swap3A = arith.index_cast %add3A_73 : i32 to index
        %swap3A_76 = arith.index_cast %mul3A_75 : i32 to index
        %swap3A_77 = tpu.vector_load %arg8[%swap3A, %swap3A_76] {strides = array<i32>} : memref<200x128xf32, #tpu.memory_space<vmem>>, vector<16xf32>,
        tpu.vector_store %arg8[%swap3A, %swap3A_76], %gather3A {strides = array<i32>} : memref<200x128xf32, #tpu.memory_space<vmem>>, vector<16xf32>,
        %add3A_78 = arith.constant 1 : i32
        %add3A_79 = arith.addi %mul3A_65, %add3A_78 : i32
        %mul3A_80 = arith.constant 16 : i32
        %mul3A_81 = arith.muli %mul3A_18, %mul3A_80 : i32
        %get3A_82 = arith.index_cast %add3A_79 : i32 to index
        %get3A_83 = arith.index_cast %mul3A_81 : i32 to index
        %get3A_84 = tpu.vector_load %arg7[%get3A_82, %get3A_83] {strides = array<i32>} : memref<200x128xi32, #tpu.memory_space<vmem>>, vector<16xi32>,
        %gather3A_85 = tpu.vector_load_idx %arg5[%iota3A, %get3A_84] : memref<16x1000xf32, #tpu.memory_space<vmem>>[vector<16xi32>, vector<16xi32>], vector<16xf32>,
        %add3A_86 = arith.constant 1 : i32
        %add3A_87 = arith.addi %mul3A_65, %add3A_86 : i32
        %mul3A_88 = arith.constant 16 : i32
        %mul3A_89 = arith.muli %mul3A_18, %mul3A_88 : i32
        %swap3A_90 = arith.index_cast %add3A_87 : i32 to index
        %swap3A_91 = arith.index_cast %mul3A_89 : i32 to index
        %swap3A_92 = tpu.vector_load %arg8[%swap3A_90, %swap3A_91] {strides = array<i32>} : memref<200x128xf32, #tpu.memory_space<vmem>>, vector<16xf32>,
        tpu.vector_store %arg8[%swap3A_90, %swap3A_91], %gather3A_85 {strides = array<i32>} : memref<200x128xf32, #tpu.memory_space<vmem>>, vector<16xf32>,
        %add3A_93 = arith.constant 2 : i32
        %add3A_94 = arith.addi %mul3A_65, %add3A_93 : i32
        %mul3A_95 = arith.constant 16 : i32
        %mul3A_96 = arith.muli %mul3A_18, %mul3A_95 : i32
        %get3A_97 = arith.index_cast %add3A_94 : i32 to index
        %get3A_98 = arith.index_cast %mul3A_96 : i32 to index
        %get3A_99 = tpu.vector_load %arg7[%get3A_97, %get3A_98] {strides = array<i32>} : memref<200x128xi32, #tpu.memory_space<vmem>>, vector<16xi32>,
        %gather3A_100 = tpu.vector_load_idx %arg5[%iota3A, %get3A_99] : memref<16x1000xf32, #tpu.memory_space<vmem>>[vector<16xi32>, vector<16xi32>], vector<16xf32>,
        %add3A_101 = arith.constant 2 : i32
        %add3A_102 = arith.addi %mul3A_65, %add3A_101 : i32
        %mul3A_103 = arith.constant 16 : i32
        %mul3A_104 = arith.muli %mul3A_18, %mul3A_103 : i32
        %swap3A_105 = arith.index_cast %add3A_102 : i32 to index
        %swap3A_106 = arith.index_cast %mul3A_104 : i32 to index
        %swap3A_107 = tpu.vector_load %arg8[%swap3A_105, %swap3A_106] {strides = array<i32>} : memref<200x128xf32, #tpu.memory_space<vmem>>, vector<16xf32>,
        tpu.vector_store %arg8[%swap3A_105, %swap3A_106], %gather3A_100 {strides = array<i32>} : memref<200x128xf32, #tpu.memory_space<vmem>>, vector<16xf32>,
        %add3A_108 = arith.constant 3 : i32
        %add3A_109 = arith.addi %mul3A_65, %add3A_108 : i32
        %mul3A_110 = arith.constant 16 : i32
        %mul3A_111 = arith.muli %mul3A_18, %mul3A_110 : i32
        %get3A_112 = arith.index_cast %add3A_109 : i32 to index
        %get3A_113 = arith.index_cast %mul3A_111 : i32 to index
        %get3A_114 = tpu.vector_load %arg7[%get3A_112, %get3A_113] {strides = array<i32>} : memref<200x128xi32, #tpu.memory_space<vmem>>, vector<16xi32>,
        %gather3A_115 = tpu.vector_load_idx %arg5[%iota3A, %get3A_114] : memref<16x1000xf32, #tpu.memory_space<vmem>>[vector<16xi32>, vector<16xi32>], vector<16xf32>,
        %add3A_116 = arith.constant 3 : i32
        %add3A_117 = arith.addi %mul3A_65, %add3A_116 : i32
        %mul3A_118 = arith.constant 16 : i32
        %mul3A_119 = arith.muli %mul3A_18, %mul3A_118 : i32
        %swap3A_120 = arith.index_cast %add3A_117 : i32 to index
        %swap3A_121 = arith.index_cast %mul3A_119 : i32 to index
        %swap3A_122 = tpu.vector_load %arg8[%swap3A_120, %swap3A_121] {strides = array<i32>} : memref<200x128xf32, #tpu.memory_space<vmem>>, vector<16xf32>,
        tpu.vector_store %arg8[%swap3A_120, %swap3A_121], %gather3A_115 {strides = array<i32>} : memref<200x128xf32, #tpu.memory_space<vmem>>, vector<16xf32>,
        %add3A_123 = arith.constant 4 : i32
        %add3A_124 = arith.addi %mul3A_65, %add3A_123 : i32
        %mul3A_125 = arith.constant 16 : i32
        %mul3A_126 = arith.muli %mul3A_18, %mul3A_125 : i32
        %get3A_127 = arith.index_cast %add3A_124 : i32 to index
        %get3A_128 = arith.index_cast %mul3A_126 : i32 to index
        %get3A_129 = tpu.vector_load %arg7[%get3A_127, %get3A_128] {strides = array<i32>} : memref<200x128xi32, #tpu.memory_space<vmem>>, vector<16xi32>,
        %gather3A_130 = tpu.vector_load_idx %arg5[%iota3A, %get3A_129] : memref<16x1000xf32, #tpu.memory_space<vmem>>[vector<16xi32>, vector<16xi32>], vector<16xf32>,
        %add3A_131 = arith.constant 4 : i32
        %add3A_132 = arith.addi %mul3A_65, %add3A_131 : i32
        %mul3A_133 = arith.constant 16 : i32
        %mul3A_134 = arith.muli %mul3A_18, %mul3A_133 : i32
        %swap3A_135 = arith.index_cast %add3A_132 : i32 to index
        %swap3A_136 = arith.index_cast %mul3A_134 : i32 to index
        %swap3A_137 = tpu.vector_load %arg8[%swap3A_135, %swap3A_136] {strides = array<i32>} : memref<200x128xf32, #tpu.memory_space<vmem>>, vector<16xf32>,
        tpu.vector_store %arg8[%swap3A_135, %swap3A_136], %gather3A_130 {strides = array<i32>} : memref<200x128xf32, #tpu.memory_space<vmem>>, vector<16xf32>,
        %add3A_138 = arith.constant 5 : i32
        %add3A_139 = arith.addi %mul3A_65, %add3A_138 : i32
        %mul3A_140 = arith.constant 16 : i32
        %mul3A_141 = arith.muli %mul3A_18, %mul3A_140 : i32
        %get3A_142 = arith.index_cast %add3A_139 : i32 to index
        %get3A_143 = arith.index_cast %mul3A_141 : i32 to index
        %get3A_144 = tpu.vector_load %arg7[%get3A_142, %get3A_143] {strides = array<i32>} : memref<200x128xi32, #tpu.memory_space<vmem>>, vector<16xi32>,
        %gather3A_145 = tpu.vector_load_idx %arg5[%iota3A, %get3A_144] : memref<16x1000xf32, #tpu.memory_space<vmem>>[vector<16xi32>, vector<16xi32>], vector<16xf32>,
        %add3A_146 = arith.constant 5 : i32
        %add3A_147 = arith.addi %mul3A_65, %add3A_146 : i32
        %mul3A_148 = arith.constant 16 : i32
        %mul3A_149 = arith.muli %mul3A_18, %mul3A_148 : i32
        %swap3A_150 = arith.index_cast %add3A_147 : i32 to index
        %swap3A_151 = arith.index_cast %mul3A_149 : i32 to index
        %swap3A_152 = tpu.vector_load %arg8[%swap3A_150, %swap3A_151] {strides = array<i32>} : memref<200x128xf32, #tpu.memory_space<vmem>>, vector<16xf32>,
        tpu.vector_store %arg8[%swap3A_150, %swap3A_151], %gather3A_145 {strides = array<i32>} : memref<200x128xf32, #tpu.memory_space<vmem>>, vector<16xf32>,
        %add3A_153 = arith.constant 6 : i32
        %add3A_154 = arith.addi %mul3A_65, %add3A_153 : i32
        %mul3A_155 = arith.constant 16 : i32
        %mul3A_156 = arith.muli %mul3A_18, %mul3A_155 : i32
        %get3A_157 = arith.index_cast %add3A_154 : i32 to index
        %get3A_158 = arith.index_cast %mul3A_156 : i32 to index
        %get3A_159 = tpu.vector_load %arg7[%get3A_157, %get3A_158] {strides = array<i32>} : memref<200x128xi32, #tpu.memory_space<vmem>>, vector<16xi32>,
        %gather3A_160 = tpu.vector_load_idx %arg5[%iota3A, %get3A_159] : memref<16x1000xf32, #tpu.memory_space<vmem>>[vector<16xi32>, vector<16xi32>], vector<16xf32>,
        %add3A_161 = arith.constant 6 : i32
        %add3A_162 = arith.addi %mul3A_65, %add3A_161 : i32
        %mul3A_163 = arith.constant 16 : i32
        %mul3A_164 = arith.muli %mul3A_18, %mul3A_163 : i32
        %swap3A_165 = arith.index_cast %add3A_162 : i32 to index
        %swap3A_166 = arith.index_cast %mul3A_164 : i32 to index
        %swap3A_167 = tpu.vector_load %arg8[%swap3A_165, %swap3A_166] {strides = array<i32>} : memref<200x128xf32, #tpu.memory_space<vmem>>, vector<16xf32>,
        tpu.vector_store %arg8[%swap3A_165, %swap3A_166], %gather3A_160 {strides = array<i32>} : memref<200x128xf32, #tpu.memory_space<vmem>>, vector<16xf32>,
        %add3A_168 = arith.constant 7 : i32
        %add3A_169 = arith.addi %mul3A_65, %add3A_168 : i32
        %mul3A_170 = arith.constant 16 : i32
        %mul3A_171 = arith.muli %mul3A_18, %mul3A_170 : i32
        %get3A_172 = arith.index_cast %add3A_169 : i32 to index
        %get3A_173 = arith.index_cast %mul3A_171 : i32 to index
        %get3A_174 = tpu.vector_load %arg7[%get3A_172, %get3A_173] {strides = array<i32>} : memref<200x128xi32, #tpu.memory_space<vmem>>, vector<16xi32>,
        %gather3A_175 = tpu.vector_load_idx %arg5[%iota3A, %get3A_174] : memref<16x1000xf32, #tpu.memory_space<vmem>>[vector<16xi32>, vector<16xi32>], vector<16xf32>,
        %add3A_176 = arith.constant 7 : i32
        %add3A_177 = arith.addi %mul3A_65, %add3A_176 : i32
        %mul3A_178 = arith.constant 16 : i32
        %mul3A_179 = arith.muli %mul3A_18, %mul3A_178 : i32
        %swap3A_180 = arith.index_cast %add3A_177 : i32 to index
        %swap3A_181 = arith.index_cast %mul3A_179 : i32 to index
        %swap3A_182 = tpu.vector_load %arg8[%swap3A_180, %swap3A_181] {strides = array<i32>} : memref<200x128xf32, #tpu.memory_space<vmem>>, vector<16xf32>,
        tpu.vector_store %arg8[%swap3A_180, %swap3A_181], %gather3A_175 {strides = array<i32>} : memref<200x128xf32, #tpu.memory_space<vmem>>, vector<16xf32>,
      }
      %scan3A_38 = arith.constant 25 : i32
      %add3A_39 = arith.constant 2 : i32
      %add3A_40 = arith.addi %mul3A_18, %add3A_39 : i32
      %lt3A = arith.constant 8 : i32
      %lt3A_41 = arith.cmpi slt, %add3A_40, %lt3A : i32
      %convert_element_type3A = arith.extui %lt3A_41 : i1 to i32
      %cond3A = arith.constant 0 : i32
      %cond3A_42 = arith.cmpi ne, %convert_element_type3A, %cond3A : i32
      scf.if %cond3A_42 {
        %add3A_59 = arith.constant 2 : i32
        %add3A_60 = arith.addi %mul3A_18, %add3A_59 : i32
        %mul3A_61 = arith.constant 16 : i32
        %mul3A_62 = arith.muli %add3A_60, %mul3A_61 : i32
        %add3A_63 = arith.addi %mul3A_2, %mul3A_62 : i32
        %dma_start3A_64 = arith.constant 0 : i32
        %dma_start3A_65 = tpu.memref_slice %arg2[%add3A_63, %dma_start3A_64] : memref<4096x1000xf32, #tpu.memory_space<hbm>> -> memref<16x1000xf32, #tpu.memory_space<hbm>>
        %dma_start3A_66 = arith.constant 0 : i32
        %dma_start3A_67 = tpu.memref_slice %arg2[%add3A_63, %dma_start3A_66] : memref<4096x1000xf32, #tpu.memory_space<hbm>> -> memref<16x1000xf32, #tpu.memory_space<hbm>>
        tpu.enqueue_dma source(%dma_start3A_67 : memref<16x1000xf32, #tpu.memory_space<hbm>>) target(%arg5 : memref<16x1000xf32, #tpu.memory_space<vmem>>) target_semaphore(%arg9 : memref<!tpu.dma_semaphore, #tpu.memory_space<semaphore_mem>>)
      } else {
      }
      %add3A_43 = arith.constant 1 : i32
      %add3A_44 = arith.addi %mul3A_18, %add3A_43 : i32
      %mul3A_45 = arith.constant 16 : i32
      %mul3A_46 = arith.muli %add3A_44, %mul3A_45 : i32
      %add3A_47 = arith.addi %mul3A_2, %mul3A_46 : i32
      %dma_wait3A_48 = arith.constant 0 : i32
      %dma_wait3A_49 = tpu.memref_slice %arg2[%add3A_47, %dma_wait3A_48] : memref<4096x1000xf32, #tpu.memory_space<hbm>> -> memref<16x1000xf32, #tpu.memory_space<hbm>>
      %dma_wait3A_50 = arith.constant 0 : i32
      %dma_wait3A_51 = tpu.memref_slice %arg2[%add3A_47, %dma_wait3A_50] : memref<4096x1000xf32, #tpu.memory_space<hbm>> -> memref<16x1000xf32, #tpu.memory_space<hbm>>
      tpu.wait_dma2 semaphore(%arg10 : memref<!tpu.dma_semaphore, #tpu.memory_space<semaphore_mem>>) src(%dma_wait3A_51 : memref<16x1000xf32, #tpu.memory_space<hbm>>) dst(%arg6 : memref<16x1000xf32, #tpu.memory_space<vmem>>)
      %add3A_52 = arith.constant 1 : i32
      %add3A_53 = arith.addi %mul3A_18, %add3A_52 : i32
      %scan3A_54 = arith.constant 0 : i32
      %scan3A_55 = arith.constant 25 : i32
      %scan3A_56 = arith.addi %scan3A_54, %scan3A_55 : i32
      %scan3A_57 = arith.constant 1 : i32
      scf.for %scan3A_59 = %scan3A_54 to %scan3A_56 step %scan3A_57  : i32 {
        %mul3A_60 = arith.constant 1 : i32
        %mul3A_61 = arith.muli %scan3A_59, %mul3A_60 : i32
        %add3A_62 = arith.constant 0 : i32
        %add3A_63 = arith.addi %add3A_62, %mul3A_61 : i32
        %mul3A_64 = arith.constant 8 : i32
        %mul3A_65 = arith.muli %add3A_63, %mul3A_64 : i32
        %add3A_66 = arith.constant 0 : i32
        %add3A_67 = arith.addi %mul3A_65, %add3A_66 : i32
        %mul3A_68 = arith.constant 16 : i32
        %mul3A_69 = arith.muli %add3A_53, %mul3A_68 : i32
        %get3A = arith.index_cast %add3A_67 : i32 to index
        %get3A_70 = arith.index_cast %mul3A_69 : i32 to index
        %get3A_71 = tpu.vector_load %arg7[%get3A, %get3A_70] {strides = array<i32>} : memref<200x128xi32, #tpu.memory_space<vmem>>, vector<16xi32>,
        %gather3A = tpu.vector_load_idx %arg6[%iota3A, %get3A_71] : memref<16x1000xf32, #tpu.memory_space<vmem>>[vector<16xi32>, vector<16xi32>], vector<16xf32>,
        %add3A_72 = arith.constant 0 : i32
        %add3A_73 = arith.addi %mul3A_65, %add3A_72 : i32
        %mul3A_74 = arith.constant 16 : i32
        %mul3A_75 = arith.muli %add3A_53, %mul3A_74 : i32
        %swap3A = arith.index_cast %add3A_73 : i32 to index
        %swap3A_76 = arith.index_cast %mul3A_75 : i32 to index
        %swap3A_77 = tpu.vector_load %arg8[%swap3A, %swap3A_76] {strides = array<i32>} : memref<200x128xf32, #tpu.memory_space<vmem>>, vector<16xf32>,
        tpu.vector_store %arg8[%swap3A, %swap3A_76], %gather3A {strides = array<i32>} : memref<200x128xf32, #tpu.memory_space<vmem>>, vector<16xf32>,
        %add3A_78 = arith.constant 1 : i32
        %add3A_79 = arith.addi %mul3A_65, %add3A_78 : i32
        %mul3A_80 = arith.constant 16 : i32
        %mul3A_81 = arith.muli %add3A_53, %mul3A_80 : i32
        %get3A_82 = arith.index_cast %add3A_79 : i32 to index
        %get3A_83 = arith.index_cast %mul3A_81 : i32 to index
        %get3A_84 = tpu.vector_load %arg7[%get3A_82, %get3A_83] {strides = array<i32>} : memref<200x128xi32, #tpu.memory_space<vmem>>, vector<16xi32>,
        %gather3A_85 = tpu.vector_load_idx %arg6[%iota3A, %get3A_84] : memref<16x1000xf32, #tpu.memory_space<vmem>>[vector<16xi32>, vector<16xi32>], vector<16xf32>,
        %add3A_86 = arith.constant 1 : i32
        %add3A_87 = arith.addi %mul3A_65, %add3A_86 : i32
        %mul3A_88 = arith.constant 16 : i32
        %mul3A_89 = arith.muli %add3A_53, %mul3A_88 : i32
        %swap3A_90 = arith.index_cast %add3A_87 : i32 to index
        %swap3A_91 = arith.index_cast %mul3A_89 : i32 to index
        %swap3A_92 = tpu.vector_load %arg8[%swap3A_90, %swap3A_91] {strides = array<i32>} : memref<200x128xf32, #tpu.memory_space<vmem>>, vector<16xf32>,
        tpu.vector_store %arg8[%swap3A_90, %swap3A_91], %gather3A_85 {strides = array<i32>} : memref<200x128xf32, #tpu.memory_space<vmem>>, vector<16xf32>,
        %add3A_93 = arith.constant 2 : i32
        %add3A_94 = arith.addi %mul3A_65, %add3A_93 : i32
        %mul3A_95 = arith.constant 16 : i32
        %mul3A_96 = arith.muli %add3A_53, %mul3A_95 : i32
        %get3A_97 = arith.index_cast %add3A_94 : i32 to index
        %get3A_98 = arith.index_cast %mul3A_96 : i32 to index
        %get3A_99 = tpu.vector_load %arg7[%get3A_97, %get3A_98] {strides = array<i32>} : memref<200x128xi32, #tpu.memory_space<vmem>>, vector<16xi32>,
        %gather3A_100 = tpu.vector_load_idx %arg6[%iota3A, %get3A_99] : memref<16x1000xf32, #tpu.memory_space<vmem>>[vector<16xi32>, vector<16xi32>], vector<16xf32>,
        %add3A_101 = arith.constant 2 : i32
        %add3A_102 = arith.addi %mul3A_65, %add3A_101 : i32
        %mul3A_103 = arith.constant 16 : i32
        %mul3A_104 = arith.muli %add3A_53, %mul3A_103 : i32
        %swap3A_105 = arith.index_cast %add3A_102 : i32 to index
        %swap3A_106 = arith.index_cast %mul3A_104 : i32 to index
        %swap3A_107 = tpu.vector_load %arg8[%swap3A_105, %swap3A_106] {strides = array<i32>} : memref<200x128xf32, #tpu.memory_space<vmem>>, vector<16xf32>,
        tpu.vector_store %arg8[%swap3A_105, %swap3A_106], %gather3A_100 {strides = array<i32>} : memref<200x128xf32, #tpu.memory_space<vmem>>, vector<16xf32>,
        %add3A_108 = arith.constant 3 : i32
        %add3A_109 = arith.addi %mul3A_65, %add3A_108 : i32
        %mul3A_110 = arith.constant 16 : i32
        %mul3A_111 = arith.muli %add3A_53, %mul3A_110 : i32
        %get3A_112 = arith.index_cast %add3A_109 : i32 to index
        %get3A_113 = arith.index_cast %mul3A_111 : i32 to index
        %get3A_114 = tpu.vector_load %arg7[%get3A_112, %get3A_113] {strides = array<i32>} : memref<200x128xi32, #tpu.memory_space<vmem>>, vector<16xi32>,
        %gather3A_115 = tpu.vector_load_idx %arg6[%iota3A, %get3A_114] : memref<16x1000xf32, #tpu.memory_space<vmem>>[vector<16xi32>, vector<16xi32>], vector<16xf32>,
        %add3A_116 = arith.constant 3 : i32
        %add3A_117 = arith.addi %mul3A_65, %add3A_116 : i32
        %mul3A_118 = arith.constant 16 : i32
        %mul3A_119 = arith.muli %add3A_53, %mul3A_118 : i32
        %swap3A_120 = arith.index_cast %add3A_117 : i32 to index
        %swap3A_121 = arith.index_cast %mul3A_119 : i32 to index
        %swap3A_122 = tpu.vector_load %arg8[%swap3A_120, %swap3A_121] {strides = array<i32>} : memref<200x128xf32, #tpu.memory_space<vmem>>, vector<16xf32>,
        tpu.vector_store %arg8[%swap3A_120, %swap3A_121], %gather3A_115 {strides = array<i32>} : memref<200x128xf32, #tpu.memory_space<vmem>>, vector<16xf32>,
        %add3A_123 = arith.constant 4 : i32
        %add3A_124 = arith.addi %mul3A_65, %add3A_123 : i32
        %mul3A_125 = arith.constant 16 : i32
        %mul3A_126 = arith.muli %add3A_53, %mul3A_125 : i32
        %get3A_127 = arith.index_cast %add3A_124 : i32 to index
        %get3A_128 = arith.index_cast %mul3A_126 : i32 to index
        %get3A_129 = tpu.vector_load %arg7[%get3A_127, %get3A_128] {strides = array<i32>} : memref<200x128xi32, #tpu.memory_space<vmem>>, vector<16xi32>,
        %gather3A_130 = tpu.vector_load_idx %arg6[%iota3A, %get3A_129] : memref<16x1000xf32, #tpu.memory_space<vmem>>[vector<16xi32>, vector<16xi32>], vector<16xf32>,
        %add3A_131 = arith.constant 4 : i32
        %add3A_132 = arith.addi %mul3A_65, %add3A_131 : i32
        %mul3A_133 = arith.constant 16 : i32
        %mul3A_134 = arith.muli %add3A_53, %mul3A_133 : i32
        %swap3A_135 = arith.index_cast %add3A_132 : i32 to index
        %swap3A_136 = arith.index_cast %mul3A_134 : i32 to index
        %swap3A_137 = tpu.vector_load %arg8[%swap3A_135, %swap3A_136] {strides = array<i32>} : memref<200x128xf32, #tpu.memory_space<vmem>>, vector<16xf32>,
        tpu.vector_store %arg8[%swap3A_135, %swap3A_136], %gather3A_130 {strides = array<i32>} : memref<200x128xf32, #tpu.memory_space<vmem>>, vector<16xf32>,
        %add3A_138 = arith.constant 5 : i32
        %add3A_139 = arith.addi %mul3A_65, %add3A_138 : i32
        %mul3A_140 = arith.constant 16 : i32
        %mul3A_141 = arith.muli %add3A_53, %mul3A_140 : i32
        %get3A_142 = arith.index_cast %add3A_139 : i32 to index
        %get3A_143 = arith.index_cast %mul3A_141 : i32 to index
        %get3A_144 = tpu.vector_load %arg7[%get3A_142, %get3A_143] {strides = array<i32>} : memref<200x128xi32, #tpu.memory_space<vmem>>, vector<16xi32>,
        %gather3A_145 = tpu.vector_load_idx %arg6[%iota3A, %get3A_144] : memref<16x1000xf32, #tpu.memory_space<vmem>>[vector<16xi32>, vector<16xi32>], vector<16xf32>,
        %add3A_146 = arith.constant 5 : i32
        %add3A_147 = arith.addi %mul3A_65, %add3A_146 : i32
        %mul3A_148 = arith.constant 16 : i32
        %mul3A_149 = arith.muli %add3A_53, %mul3A_148 : i32
        %swap3A_150 = arith.index_cast %add3A_147 : i32 to index
        %swap3A_151 = arith.index_cast %mul3A_149 : i32 to index
        %swap3A_152 = tpu.vector_load %arg8[%swap3A_150, %swap3A_151] {strides = array<i32>} : memref<200x128xf32, #tpu.memory_space<vmem>>, vector<16xf32>,
        tpu.vector_store %arg8[%swap3A_150, %swap3A_151], %gather3A_145 {strides = array<i32>} : memref<200x128xf32, #tpu.memory_space<vmem>>, vector<16xf32>,
        %add3A_153 = arith.constant 6 : i32
        %add3A_154 = arith.addi %mul3A_65, %add3A_153 : i32
        %mul3A_155 = arith.constant 16 : i32
        %mul3A_156 = arith.muli %add3A_53, %mul3A_155 : i32
        %get3A_157 = arith.index_cast %add3A_154 : i32 to index
        %get3A_158 = arith.index_cast %mul3A_156 : i32 to index
        %get3A_159 = tpu.vector_load %arg7[%get3A_157, %get3A_158] {strides = array<i32>} : memref<200x128xi32, #tpu.memory_space<vmem>>, vector<16xi32>,
        %gather3A_160 = tpu.vector_load_idx %arg6[%iota3A, %get3A_159] : memref<16x1000xf32, #tpu.memory_space<vmem>>[vector<16xi32>, vector<16xi32>], vector<16xf32>,
        %add3A_161 = arith.constant 6 : i32
        %add3A_162 = arith.addi %mul3A_65, %add3A_161 : i32
        %mul3A_163 = arith.constant 16 : i32
        %mul3A_164 = arith.muli %add3A_53, %mul3A_163 : i32
        %swap3A_165 = arith.index_cast %add3A_162 : i32 to index
        %swap3A_166 = arith.index_cast %mul3A_164 : i32 to index
        %swap3A_167 = tpu.vector_load %arg8[%swap3A_165, %swap3A_166] {strides = array<i32>} : memref<200x128xf32, #tpu.memory_space<vmem>>, vector<16xf32>,
        tpu.vector_store %arg8[%swap3A_165, %swap3A_166], %gather3A_160 {strides = array<i32>} : memref<200x128xf32, #tpu.memory_space<vmem>>, vector<16xf32>,
        %add3A_168 = arith.constant 7 : i32
        %add3A_169 = arith.addi %mul3A_65, %add3A_168 : i32
        %mul3A_170 = arith.constant 16 : i32
        %mul3A_171 = arith.muli %add3A_53, %mul3A_170 : i32
        %get3A_172 = arith.index_cast %add3A_169 : i32 to index
        %get3A_173 = arith.index_cast %mul3A_171 : i32 to index
        %get3A_174 = tpu.vector_load %arg7[%get3A_172, %get3A_173] {strides = array<i32>} : memref<200x128xi32, #tpu.memory_space<vmem>>, vector<16xi32>,
        %gather3A_175 = tpu.vector_load_idx %arg6[%iota3A, %get3A_174] : memref<16x1000xf32, #tpu.memory_space<vmem>>[vector<16xi32>, vector<16xi32>], vector<16xf32>,
        %add3A_176 = arith.constant 7 : i32
        %add3A_177 = arith.addi %mul3A_65, %add3A_176 : i32
        %mul3A_178 = arith.constant 16 : i32
        %mul3A_179 = arith.muli %add3A_53, %mul3A_178 : i32
        %swap3A_180 = arith.index_cast %add3A_177 : i32 to index
        %swap3A_181 = arith.index_cast %mul3A_179 : i32 to index
        %swap3A_182 = tpu.vector_load %arg8[%swap3A_180, %swap3A_181] {strides = array<i32>} : memref<200x128xf32, #tpu.memory_space<vmem>>, vector<16xf32>,
        tpu.vector_store %arg8[%swap3A_180, %swap3A_181], %gather3A_175 {strides = array<i32>} : memref<200x128xf32, #tpu.memory_space<vmem>>, vector<16xf32>,
      }
      %scan3A_58 = arith.constant 25 : i32
    }
    %scan3A_11 = arith.constant 4 : i32
    "tpu.region"() ({
      %run_scoped3A = tpu.sem_alloc : memref<!tpu.dma_semaphore, #tpu.memory_space<semaphore_mem>>
      %dma_start3A_12 = arith.constant 0 : i32
      %dma_start3A_13 = tpu.memref_slice %arg4[%dma_start3A_12, %mul3A_2] : memref<200x4096xf32, #tpu.memory_space<hbm>> -> memref<200x128xf32, #tpu.memory_space<hbm>>
      %dma_start3A_14 = arith.constant 0 : i32
      %dma_start3A_15 = tpu.memref_slice %arg4[%dma_start3A_14, %mul3A_2] : memref<200x4096xf32, #tpu.memory_space<hbm>> -> memref<200x128xf32, #tpu.memory_space<hbm>>
      tpu.enqueue_dma source(%arg8 : memref<200x128xf32, #tpu.memory_space<vmem>>) target(%dma_start3A_15 : memref<200x128xf32, #tpu.memory_space<hbm>>) target_semaphore(%run_scoped3A : memref<!tpu.dma_semaphore, #tpu.memory_space<semaphore_mem>>)
      %dma_wait3A = arith.constant 0 : i32
      %dma_wait3A_16 = tpu.memref_slice %arg4[%dma_wait3A, %mul3A_2] : memref<200x4096xf32, #tpu.memory_space<hbm>> -> memref<200x128xf32, #tpu.memory_space<hbm>>
      %dma_wait3A_17 = arith.constant 0 : i32
      %dma_wait3A_18 = tpu.memref_slice %arg4[%dma_wait3A_17, %mul3A_2] : memref<200x4096xf32, #tpu.memory_space<hbm>> -> memref<200x128xf32, #tpu.memory_space<hbm>>
      tpu.wait_dma2 semaphore(%run_scoped3A : memref<!tpu.dma_semaphore, #tpu.memory_space<semaphore_mem>>) src(%arg8 : memref<200x128xf32, #tpu.memory_space<vmem>>) dst(%dma_wait3A_18 : memref<200x128xf32, #tpu.memory_space<hbm>>)
      tpu.yield
    }) : () -> ()
    return
  }
}

</mosaic_0001>

<sc_bundles>
// kernel: kernel.3.cloned.1.call-start
scs
__scs_entry_jumppad:
0x0: {  	(pc) =	sbr.rel $0x88, $3  }
0x1: {  	(tag) =	ssettag $0x0;
	lr =	simm.s32 $0x1  }
0x2: {  	[smem:$0x3F9F] =	sst lr;
	_ =	strace $0xD0000000  }
0x3: {  	_ = 	snop  }
0x4: {  	_ = 	snop  }
0x5: {  	_ = 	snop  }
0x6: {  	_ = 	snop  }
0x7: {  	_ = 	snop  }
__scs_overlays_trampoline_lowered:
0x8: {  	[smem:$0x3FAE] =	sst s0  }
0x9: {  	[smem:$0x3FAF] =	sst s1  }
0xa: {  	[smem:$0x3FB0] =	sst s2  }
0xb: {  	[smem:$0x3FB1] =	sst s3  }
0xc: {  	[smem:$0x3FB2] =	sst s4  }
0xd: {  	[smem:$0x3FB3] =	sst s5  }
0xe: {  	[smem:$0x3FB4] =	sst s6  }
0xf: {  	[smem:$0x3FB5] =	sst s7  }
0x10: {  	[smem:$0x3FB6] =	sst s8  }
0x11: {  	[smem:$0x3FB7] =	sst s9;
	s0 =	simm.s32 @!p0 $0x0  }
0x12: {  	s1 =	sld [smem:$0x3F9D];
	s0 =	simm.s32 @p0 $0x1  }
0x13: {  	[smem:$0x3FB8] =	sst s0;
	s0 =	simm.s32 @!p1 $0x0  }
0x14: {  	s2 =	sld [smem:$0x3F9C];
	s0 =	simm.s32 @p1 $0x1  }
0x15: {  	[smem:$0x3FB9] =	sst s0;
	s0 =	simm.s32 @!p2 $0x0  }
0x16: {  	s3 =	sld [smem:$0x3FDB];
	s0 =	simm.s32 @p2 $0x1  }
0x17: {  	s4 =	simm.s32 $0x1BF5;
	[smem:$0x3FBB] =	sst s0  }
0x18: {  	s0 =	sld [smem:$0x3F9E];
	_ =	swait.ge [sflag:s4], $0x0  }
0x19: {  	s7 =	sld [smem:$0x3F9F]  }
0x1a: {  	s8 =	sadd.s32 $0xFFFFE003, lr  }
0x1b: {  	s9 =	sadd.s32 $0xFFFFFEF7, lr;
	s5 =	simm.s32 $0xFFFFFFFF;
	p2 =	slt.u32 s8, $0xFFFFF086  }
0x1c: {  	p1 =	slt.u32 s9, $0xF7A;
	s5 =	simm.s32 @!p2 $0x0  }
0x1d: {  	s5 =	simm.s32 @p1 $0x1;
	p0 =	seq.s32 s7, s2  }
0x1e: {  	s7 =	smul.u32 @!p0 $0xF7A, s2;
	p2 =	seq.s32 @!p0 s5, $0x0  }
0x1f: {  	s9 =	smul.u32 $0xF7A, s1;
	s8 =	simm.s32 @!p0 $0x1BF5;
	p2 =	por !p2, p0  }
0x20: {  	[sflag:s8] =	ssyncset.s32 @!p0 $0xFFFFF086;
	s6 =	sadd.s32 @!p0 s3, s7;
	s7 =	simm.s32 @!p0 $0x108  }
0x21: {  	s3 =	sadd.s32 s3, s9;
	s6 =	sadd.s32 @!p0 $0x88, s6;
	s7 =	simm.s32 @p2 $0x1082  }
0x22: {  	[simem:s7], [sflag:s8] =	dma.local @!p0 [hbm:s6], $0xF7A  }
0x23: {  	s9 =	sor.u32 $0xD0000000, s2;
	s6 =	simm.s32 $0x108;
	_ =	swait.ge @!p0 [sflag:s8], $0x0  }
0x24: {  	s3 =	sadd.s32 $0x88, s3;
	s6 =	simm.s32 @!p1 $0x1082;
	[sflag:s4] =	ssyncset.s32 $0xFFFFF086  }
0x25: {  	[simem:s6], [sflag:s4] =	dma.local [hbm:s3], $0xF7A  }
0x26: {  	[smem:$0x3F9F] =	sst s1;
	(tag) =	ssettag s2;
	_ =	strace s9  }
0x27: {  	s1 =	sld [smem:$0x3FAF]  }
0x28: {  	s2 =	sld [smem:$0x3FB0]  }
0x29: {  	s4 =	sld [smem:$0x3FB2]  }
0x2a: {  	p0 =	seq.s32 s5, $0x0;
	s5 =	sld [smem:$0x3FB3]  }
0x2b: {  	s6 =	sld [smem:$0x3FB4]  }
0x2c: {  	s7 =	sld [smem:$0x3FB5]  }
0x2d: {  	s3 =	simm.s32 $0x108;
	s8 =	sld [smem:$0x3FB6]  }
0x2e: {  	s3 =	simm.s32 @!p0 $0x1082;
	s9 =	sld [smem:$0x3FB7]  }
0x2f: {  	lr =	sadd.s32 s0, s3;
	s0 =	sld [smem:$0x3FAE]  }
0x30: {  	s3 =	sld [smem:$0x3FB1]  }
0x31: {  	[smem:$0x3FBA] =	sst s10  }
0x32: {  	s10 =	sld [smem:$0x3FB8];
	_ =	sdelay $0x3  }
0x33: {  	p0 =	seq.s32 s10, $0x1;
	s10 =	sld [smem:$0x3FBA];
	_ =	sdelay $0x3  }
0x34: {  	[smem:$0x3FBA] =	sst s10  }
0x35: {  	s10 =	sld [smem:$0x3FB9];
	_ =	sdelay $0x3  }
0x36: {  	p1 =	seq.s32 s10, $0x1;
	s10 =	sld [smem:$0x3FBA];
	_ =	sdelay $0x3  }
0x37: {  	[smem:$0x3FBA] =	sst s10  }
0x38: {  	s10 =	sld [smem:$0x3FBB]  }
0x39: {  	_ = 	snop;
	(pc) =	sbr.ind lr, $3  }
0x3a: {  	_ = 	snop  }
0x3b: {  	_ = 	snop  }
0x3c: {  	p2 =	seq.s32 s10, $0x1;
	s10 =	sld [smem:$0x3FBA]  }
0x3d: {  	_ =	shalt  }
0x3e: {  	_ =	shalt  }
0x3f: {  	_ =	shalt  }
0x40: {  	_ =	shalt  }
0x41: {  	_ =	shalt  }
0x42: {  	_ =	shalt  }
0x43: {  	_ =	shalt  }
0x44: {  	_ =	shalt  }
0x45: {  	_ =	shalt  }
0x46: {  	_ =	shalt  }
0x47: {  	_ =	shalt  }
0x48: {  	_ =	shalt  }
0x49: {  	_ =	shalt  }
0x4a: {  	_ =	shalt  }
0x4b: {  	_ =	shalt  }
0x4c: {  	_ =	shalt  }
0x4d: {  	_ =	shalt  }
0x4e: {  	_ =	shalt  }
0x4f: {  	_ =	shalt  }
0x50: {  	_ =	shalt  }
0x51: {  	_ =	shalt  }
0x52: {  	_ =	shalt  }
0x53: {  	_ =	shalt  }
0x54: {  	_ =	shalt  }
0x55: {  	_ =	shalt  }
0x56: {  	_ =	shalt  }
0x57: {  	_ =	shalt  }
0x58: {  	_ =	shalt  }
0x59: {  	_ =	shalt  }
0x5a: {  	_ =	shalt  }
0x5b: {  	_ =	shalt  }
0x5c: {  	_ =	shalt  }
0x5d: {  	_ =	shalt  }
0x5e: {  	_ =	shalt  }
0x5f: {  	_ =	shalt  }
0x60: {  	_ =	shalt  }
0x61: {  	_ =	shalt  }
0x62: {  	_ =	shalt  }
0x63: {  	_ =	shalt  }
0x64: {  	_ =	shalt  }
0x65: {  	_ =	shalt  }
0x66: {  	_ =	shalt  }
0x67: {  	_ =	shalt  }
0x68: {  	_ =	shalt  }
0x69: {  	_ =	shalt  }
0x6a: {  	_ =	shalt  }
0x6b: {  	_ =	shalt  }
0x6c: {  	_ =	shalt  }
0x6d: {  	_ =	shalt  }
0x6e: {  	_ =	shalt  }
0x6f: {  	_ =	shalt  }
0x70: {  	_ =	shalt  }
0x71: {  	_ =	shalt  }
0x72: {  	_ =	shalt  }
0x73: {  	_ =	shalt  }
0x74: {  	_ =	shalt  }
0x75: {  	_ =	shalt  }
0x76: {  	_ =	shalt  }
0x77: {  	_ =	shalt  }
0x78: {  	_ =	shalt  }
0x79: {  	_ =	shalt  }
0x7a: {  	_ =	shalt  }
0x7b: {  	_ =	shalt  }
0x7c: {  	_ =	shalt  }
0x7d: {  	_ =	shalt  }
0x7e: {  	_ =	shalt  }
0x7f: {  	_ =	shalt  }
0x80: {  	_ =	shalt  }
0x81: {  	_ =	shalt  }
0x82: {  	_ =	shalt  }
0x83: {  	_ =	shalt  }
0x84: {  	_ =	shalt  }
0x85: {  	_ =	shalt  }
0x86: {  	_ =	shalt  }
0x87: {  	_ =	shalt  }
.Lfunc_end0:
.L_simem_size_0:
called_computation_lowered:
.L_overlay_start_0:
0x88: {  	s2 =	sld [smem:$0x3FD9]  }
0x89: {  	s3 =	sld [smem:$0x3FFE];
	_ =	sdelay $0x1  }
0x8a: {  	s1 =	srdreg.scid  }
0x8b: {  	s0 =	sand.u32 $0x1, s1  }
0x8c: {  	s17 =	sshll.u32 s0, $0xA;
	s2 =	sadd.s32 s3, s2  }
0x8d: {  	s2 =	sadd.s32 s2, s17  }
0x8e: {  	[smem:$0x3FC6] =	sst s2  }
0x8f: {  	_ = 	snop  }
0x90: {  	s2 =	sld [smem:$0x3FC8]  }
0x91: {  	s18 =	sld [smem:$0x3FD0];
	(tm) =	ssettm $0x1  }
0x92: {  	s4 =	sld [smem:$0x3FFB];
	_ =	sdelay $0x3  }
0x93: {  	_ =	strace s4  }
0x94: {  	s4 =	sld [smem:$0x3FFC];
	_ =	sdelay $0x3  }
0x95: {  	_ =	strace s4  }
0x96: {  	s4 =	sld [smem:$0x3FFD];
	_ =	sdelay $0x3  }
0x97: {  	_ =	strace s4  }
0x98: {  	_ =	strace $0x8FFFFFFF  }
0x99: {  	s19 =	sld [smem:$0x3FDB];
	_ =	sdelay $0x1  }
0x9a: {  	s5 =	simm.s32 $_scs_section_size  }
0x9b: {  	s6 =	simm.s32 $_size__tile_overlayer_lowered;
	s7 =	simm.s32 $_tile_overlayer_lowered  }
0x9c: {  	s22 =	simm.s32 $0x1BFF;
	s21 =	sshll.u32 s7, $0x1;
	s4 =	sadd.s32 s5, s19  }
0x9d: {  	s8 =	simm.s32 $0x0;
	s20 =	sshll.u32 s6, $0x1;
	s6 =	sadd.s32 s21, s4  }
0x9e: {  	[timem:s8], [sflag:s22] =	dma.local [hbm:s6], s20  }
0x9f: {  	_ =	swait.ge [sflag:s22], s20  }
0xa0: {  	s5 =	ssub.s32 $0x0, s20;
	[sflag:s22] =	ssyncset.done $0x0  }
0xa1: {  	[sflag:s22] =	ssyncadd.s32 s5;
	_ =	sdelay $0x1  }
0xa2: {  	s23 =	simm.s32 $0x1B8B  }
0xa3: {  	_ =	swait.ge [sflag:s23], $0x1  }
0xa4: {  	[sflag:s23] =	ssyncset.done $0x0  }
0xa5: {  	s25 =	simm.s32 $0x1B8E;
	s24 =	sld [smem:$0x3FFE];
	[sflag:s23] =	ssyncadd.s32 $0xFFFFFFFF  }
0xa6: {  	s26 =	simm.s32 $execute0_lowered;
	[smem:$0x3FD2] =	sst s25  }
0xa7: {  	s6 =	sshll.u32 s26, $0x1;
	_ =	strace $0x80000046;
	[dreg:$0x1] =	wrdreg $0xFFFFFFFF  }
0xa8: {  	s28 =	simm.s32 $_size_execute0_lowered;
	s4 =	sadd.s32 s4, s6;
	[dreg:$0x0] =	wrdreg $0x0  }
0xa9: {  	s6 =	sshll.u32 s28, $0x1;
	[dreg:$0x2] =	wrdreg s4  }
0xaa: {  	[dreg:$0x3] =	wrdreg s6  }
0xab: {  	[dreg:$0x4] =	wrdreg $0xC0  }
0xac: {  	_ =	task [dreg:s8], $0x5FFFF  }
0xad: {  	[dreg:$0x1] =	wrdreg $0xFFFFFFFF  }
0xae: {  	[dreg:$0x0] =	wrdreg $0x60  }
0xaf: {  	[dreg:$0x2] =	wrdreg s24  }
0xb0: {  	[dreg:$0x3] =	wrdreg s2  }
0xb1: {  	[dreg:$0x4] =	wrdreg s18  }
0xb2: {  	[dreg:$0x5] =	wrdreg $0x9  }
0xb3: {  	_ =	task.clear_ibuf [dreg:s8], $0x6FFFF;
	_ =	strace $0x90000046  }
0xb4: {  	s29 =	simm.s32 $0x9;
	_ =	strace $0x80000048  }
0xb5: {  	_ =	swait.ge [sflag:s29], $0x1  }
0xb6: {  	[sflag:s29] =	ssyncadd.s32 $0xFFFFFFFF  }
0xb7: {  	_ =	strace $0x90000048  }
0xb8: {  	_ =	sfence  }
0xb9: {  	s30 =	sld [smem:$0x0];
	_ =	sdelay $0x2  }
0xba: {  	s31 =	sshll.u32 s1, $0xD;
	s1 =	sshrl.u32 s1, $0x2  }
0xbb: {  	s3 =	sand.u32 $0x4000, s31;
	s1 =	sadd.s32 s1, s30  }
0xbc: {  	s0 =	sor.u32 s3, s0;
	s1 =	sshll.u32 s1, $0x11  }
0xbd: {  	s0 =	sor.u32 s1, s0  }
0xbe: {  	s0 =	sadd.s32 $0x8F2B, s0  }
0xbf: {  	[sflag:s0] =	ssyncadd.remote.s32 $0x1  }
0xc0: {  	_ =	sfence.sel $0xFFFF  }
0xc1: {  	[dreg:$0x0] =	wrdreg $0xFFFFFFFF;
	(pc) =	sbr.abs _section_cstart, $3  }
0xc2: {  	[dreg:$0x1] =	wrdreg $0xFFFFFFFF  }
0xc3: {  	_ =	task.clear_ibuf [dreg:s8], $0x2FFFF;
	_ =	strace $0x9FFFFFFF  }
0xc4: {  	(tm) =	ssettm $0x7FFFFFFF  }
0xc5: {  	_ =	shalt  }
tec
execute0_lowered:
.L_overlay_start_1:
0x0: {  	(tag) =	ssettag $0x1  }
0x1: {  	v0 =	vimm.s32 $0x2380;
	vm0 =	vcmask $0x300  }
0x2: {  	vm14 =	vcmask $0x704;
	v0 =	vsel vm0, $0x0, v0  }
0x3: {  	vm15 =	vcmask $0xB08;
	v0 =	vsel vm14, $0x80, v0  }
0x4: {  	vm4 =	vcmask $0xF0C;
	v0 =	vsel vm15, $0x100, v0  }
0x5: {  	s4 =	rddreg [dreg:$0x0];
	vm5 =	vcmask $0x1310;
	v0 =	vsel vm4, $0x180, v0  }
0x6: {  	s6 =	rddreg [dreg:$0x1];
	vm6 =	vcmask $0x1714;
	v0 =	vsel vm5, $0x200, v0  }
0x7: {  	s8 =	rddreg [dreg:$0x2];
	s2 =	srdreg.scid;
	vm7 =	vcmask $0x1B18;
	v0 =	vsel vm6, $0x280, v0  }
0x8: {  	s0 =	rddreg [dreg:$0x3];
	s1 =	stileid.u32;
	vm8 =	vcmask $0x1F1C;
	s10 =	simm.s32 $0x400;
	v0 =	vsel vm7, $0x300, v0  }
0x9: {  	vm9 =	vcmask $0x2320;
	s11 =	simm.s32 $0x3;
	s12 =	simm.s32 $0x4000;
	s13 =	simm.s32 $0x1;
	v0 =	vsel vm8, $0x380, v0  }
0xa: {  	vm10 =	vcmask $0x2724;
	s14 =	simm.s32 $0x2;
	s15 =	simm.s32 $0x8000;
	s16 =	simm.s32 $0xE400;
	v0 =	vsel vm9, $0x2000, v0  }
0xb: {  	vm11 =	vcmask $0x2B28;
	s17 =	simm.s32 $0x0;
	s3 =	sand.u32 $0x1, s2;
	s2 =	simm.s32 $0x0;
	v0 =	vsel vm10, $0x2080, v0  }
0xc: {  	vm12 =	vcmask $0x2F2C;
	s5 =	sshll.u32 s1, $0x8;
	s4 =	sadd.s32 $0x400, s4;
	s7 =	sshll.u32 s3, $0x7;
	v0 =	vsel vm11, $0x2100, v0  }
0xd: {  	vm13 =	vcmask $0x3330;
	[smem:$0x7FF] =	sst s2;
	s9 =	ssub.s32 $0x2, s3;
	s3 =	sor.u32 s7, s5;
	v0 =	vsel vm12, $0x2180, v0  }
0xe: {  	vm14 =	vcmask $0x3734;
	s31 =	sshrl.u32 s9, $0x1;
	_ =	strace $0x80000047;
	s7 =	sshll.u32 s3, $0x7;
	v0 =	vsel vm13, $0x2200, v0  }
0xf: {  	vm15 =	vcmask $0x3B38;
	s9 =	ssub.s32 s9, s31;
	s6 =	sadd.s32 s6, s3;
	s5 =	sadd.s32 s4, s7;
	v0 =	vsel vm14, $0x2280, v0  }
0x10: {  	s8 =	sadd.s32 s8, s3;
	s9 =	smax.u32 s9, $0x1;
	s7 =	sadd.s32 $0x1000, s5;
	v0 =	vsel vm15, $0x2300, v0  }
.LBB2_1:
0x11: {  	[tilespmem:s2], [sflag:$0x1] =	stream.linear.gather [hbm4b:s5+s2], $0x4000, $0x38;
	[tilespmem:$0x14800] =	vst v63  }
0x12: {  	_ = 	snop  }
0x13: {  	[tilespmem:s15], [sflag:$0x3] =	stream.strided.gather [hbm4b:s6+s10], $0x6400, s15, s10, $0x38;
	[tilespmem:$0x14800] =	vst v63  }
0x14: {  	s18 =	simm.s32 $0xE600;
	_ =	swait.ge [sflag:s11], $0x6400  }
0x15: {  	s19 =	simm.s32 $0x8210;
	s20 =	simm.s32 $0xE610;
	[sflag:s11] =	ssyncset.done $0x0  }
0x16: {  	s21 =	simm.s32 $0x8000;
	s22 =	simm.s32 $0x0;
	[sflag:s11] =	ssyncadd.s32 $0xFFFF9C00  }
.LBB2_2:
0x17: {  	s23 =	sshll.u32 s22, $0x5  }
0x18: {  	s23 =	sadd.s32 s23, s3  }
0x19: {  	s23 =	sshll.u32 s23, $0x7  }
0x1a: {  	s23 =	sadd.s32 s4, s23  }
0x1b: {  	s24 =	sadd.s32 $0x800, s23;
	s23 =	simm.s32 $0x0  }
0x1c: {  	v1 =	vmov s21;
	[tilespmem:s12], [sflag:$0x2] =	stream.linear.gather [hbm4b:s24+s23], $0x4000, $0x38;
	[tilespmem:$0x14800] =	vst v63  }
0x1d: {  	_ =	swait.ge [sflag:s13], $0x4000  }
0x1e: {  	[sflag:s13] =	ssyncset.done $0x0  }
0x1f: {  	v2 =	vmov s18;
	[sflag:s13] =	ssyncadd.s32 $0xFFFFC000  }
.LBB2_3:
0x20: {  	s24 =	sshra.s32 s23, $0x2  }
0x21: {  	v3 =	vld.idx.msk [tilespmem:v1+s24+$0x0 ss:$0x1], $0xffff;
	_ =	sdelay $0x4  }
0x22: {  	v4 =	vshll.u32 v3, $0x3  }
0x23: {  	v3 =	vand.u32 $0x7F, v3;
	v4 =	vand.u32 $0xFFFFFC00, v4  }
0x24: {  	v3 =	vor.u32 v3, v4  }
0x25: {  	v3 =	vadd.s32 v0, v3;
	_ =	sdelay $0x4  }
0x26: {  	v3 =	vld.idx.msk [tilespmem:v3+s2+$0x0], $0xffff;
	_ =	sdelay $0x4  }
0x27: {  	[tilespmem:v2+s24+$0xFFFFFE00 ss:$0x1] =	vst.idx.msk $0xffff, v3  }
0x28: {  	v3 =	vld.idx.msk [tilespmem:v1+s24+$0x80 ss:$0x1], $0xffff;
	_ =	sdelay $0x4  }
0x29: {  	v57 =	vshll.u32 v3, $0x3  }
0x2a: {  	v3 =	vand.u32 $0x7F, v3;
	v4 =	vand.u32 $0xFFFFFC00, v57  }
0x2b: {  	v3 =	vor.u32 v3, v4  }
0x2c: {  	v3 =	vadd.s32 v0, v3;
	_ =	sdelay $0x4  }
0x2d: {  	v3 =	vld.idx.msk [tilespmem:v3+s2+$0x0], $0xffff;
	_ =	sdelay $0x4  }
0x2e: {  	[tilespmem:v2+s24+$0xFFFFFE80 ss:$0x1] =	vst.idx.msk $0xffff, v3  }
0x2f: {  	v3 =	vld.idx.msk [tilespmem:v1+s24+$0x100 ss:$0x1], $0xffff;
	_ =	sdelay $0x4  }
0x30: {  	v58 =	vshll.u32 v3, $0x3  }
0x31: {  	v3 =	vand.u32 $0x7F, v3;
	v4 =	vand.u32 $0xFFFFFC00, v58  }
0x32: {  	v3 =	vor.u32 v3, v4  }
0x33: {  	v3 =	vadd.s32 v0, v3;
	_ =	sdelay $0x4  }
0x34: {  	v3 =	vld.idx.msk [tilespmem:v3+s2+$0x0], $0xffff;
	_ =	sdelay $0x4  }
0x35: {  	[tilespmem:v2+s24+$0xFFFFFF00 ss:$0x1] =	vst.idx.msk $0xffff, v3  }
0x36: {  	v3 =	vld.idx.msk [tilespmem:v1+s24+$0x180 ss:$0x1], $0xffff;
	_ =	sdelay $0x4  }
0x37: {  	v59 =	vshll.u32 v3, $0x3  }
0x38: {  	v3 =	vand.u32 $0x7F, v3;
	v4 =	vand.u32 $0xFFFFFC00, v59  }
0x39: {  	v3 =	vor.u32 v3, v4  }
0x3a: {  	v3 =	vadd.s32 v0, v3;
	_ =	sdelay $0x4  }
0x3b: {  	v3 =	vld.idx.msk [tilespmem:v3+s2+$0x0], $0xffff;
	_ =	sdelay $0x4  }
0x3c: {  	[tilespmem:v2+s24+$0xFFFFFF80 ss:$0x1] =	vst.idx.msk $0xffff, v3  }
0x3d: {  	v3 =	vld.idx.msk [tilespmem:v1+s24+$0x200 ss:$0x1], $0xffff;
	_ =	sdelay $0x4  }
0x3e: {  	v60 =	vshll.u32 v3, $0x3  }
0x3f: {  	v3 =	vand.u32 $0x7F, v3;
	v4 =	vand.u32 $0xFFFFFC00, v60  }
0x40: {  	v3 =	vor.u32 v3, v4  }
0x41: {  	v3 =	vadd.s32 v0, v3;
	_ =	sdelay $0x4  }
0x42: {  	v3 =	vld.idx.msk [tilespmem:v3+s2+$0x0], $0xffff;
	_ =	sdelay $0x4  }
0x43: {  	[tilespmem:v2+s24+$0x0 ss:$0x1] =	vst.idx.msk $0xffff, v3  }
0x44: {  	v3 =	vld.idx.msk [tilespmem:v1+s24+$0x280 ss:$0x1], $0xffff;
	_ =	sdelay $0x4  }
0x45: {  	v61 =	vshll.u32 v3, $0x3  }
0x46: {  	v3 =	vand.u32 $0x7F, v3;
	v4 =	vand.u32 $0xFFFFFC00, v61  }
0x47: {  	v3 =	vor.u32 v3, v4  }
0x48: {  	v3 =	vadd.s32 v0, v3;
	_ =	sdelay $0x4  }
0x49: {  	v3 =	vld.idx.msk [tilespmem:v3+s2+$0x0], $0xffff;
	_ =	sdelay $0x4  }
0x4a: {  	[tilespmem:v2+s24+$0x80 ss:$0x1] =	vst.idx.msk $0xffff, v3  }
0x4b: {  	v3 =	vld.idx.msk [tilespmem:v1+s24+$0x300 ss:$0x1], $0xffff;
	_ =	sdelay $0x4  }
0x4c: {  	v62 =	vshll.u32 v3, $0x3  }
0x4d: {  	v3 =	vand.u32 $0x7F, v3;
	v4 =	vand.u32 $0xFFFFFC00, v62  }
0x4e: {  	v3 =	vor.u32 v3, v4  }
0x4f: {  	v3 =	vadd.s32 v0, v3;
	_ =	sdelay $0x4  }
0x50: {  	v3 =	vld.idx.msk [tilespmem:v3+s2+$0x0], $0xffff;
	_ =	sdelay $0x4  }
0x51: {  	[tilespmem:v2+s24+$0x100 ss:$0x1] =	vst.idx.msk $0xffff, v3  }
0x52: {  	v3 =	vld.idx.msk [tilespmem:v1+s24+$0x380 ss:$0x1], $0xffff;
	_ =	sdelay $0x4  }
0x53: {  	v63 =	vshll.u32 v3, $0x3  }
0x54: {  	v3 =	vand.u32 $0x7F, v3;
	v4 =	vand.u32 $0xFFFFFC00, v63  }
0x55: {  	v3 =	vor.u32 v3, v4  }
0x56: {  	v3 =	vadd.s32 v0, v3;
	_ =	sdelay $0x4  }
0x57: {  	p0 =	sne.s32 s23, $0x18000;
	v3 =	vld.idx.msk [tilespmem:v3+s2+$0x0], $0xffff  }
.Ltmp0:
0x58: {  	_ = 	snop;
	(pc) =	sbr.rel @p0 .LBB2_3-.Ltmp0, $2  }
0x59: {  	_ =	sdelay $0x2  }
0x5a: {  	s23 =	sadd.s32 $0x1000, s23;
	[tilespmem:v2+s24+$0x180 ss:$0x1] =	vst.idx.msk $0xffff, v3  }
0x5b: {  	p0 =	seq.s32 s22, $0x3  }
0x5c: {  	s23 =	sshll.u32 @!p0 s22, $0xC  }
0x5d: {  	s24 =	simm.s32 @!p0 $0x0;
	s23 =	sadd.s32 @!p0 s23, s7  }
0x5e: {  	v1 =	vmov s19;
	[tilespmem:s24], [sflag:$0x1] =	stream.linear.gather @!p0 [hbm4b:s23+s24], $0x4000, $0x38;
	[tilespmem:$0x14800] =	vst v63  }
0x5f: {  	_ =	swait.ge [sflag:s14], $0x4000  }
0x60: {  	[sflag:s14] =	ssyncset.done $0x0  }
0x61: {  	v2 =	vmov s20;
	s23 =	simm.s32 $0x0;
	[sflag:s14] =	ssyncadd.s32 $0xFFFFC000  }
.LBB2_5:
0x62: {  	s24 =	sshra.s32 s23, $0x2  }
0x63: {  	v3 =	vld.idx.msk [tilespmem:v1+s24+$0xFFFFFE00 ss:$0x1], $0xffff;
	_ =	sdelay $0x4  }
0x64: {  	v4 =	vshll.u32 v3, $0x3  }
0x65: {  	v3 =	vand.u32 $0x7F, v3;
	v4 =	vand.u32 $0xFFFFFC00, v4  }
0x66: {  	v3 =	vor.u32 v3, v4  }
0x67: {  	v3 =	vadd.s32 v0, v3;
	_ =	sdelay $0x4  }
0x68: {  	v3 =	vld.idx.msk [tilespmem:v3+s12+$0x0], $0xffff;
	_ =	sdelay $0x4  }
0x69: {  	[tilespmem:v2+s24+$0xFFFFFE00 ss:$0x1] =	vst.idx.msk $0xffff, v3  }
0x6a: {  	v3 =	vld.idx.msk [tilespmem:v1+s24+$0xFFFFFE80 ss:$0x1], $0xffff;
	_ =	sdelay $0x4  }
0x6b: {  	v57 =	vshll.u32 v3, $0x3  }
0x6c: {  	v3 =	vand.u32 $0x7F, v3;
	v4 =	vand.u32 $0xFFFFFC00, v57  }
0x6d: {  	v3 =	vor.u32 v3, v4  }
0x6e: {  	v3 =	vadd.s32 v0, v3;
	_ =	sdelay $0x4  }
0x6f: {  	v3 =	vld.idx.msk [tilespmem:v3+s12+$0x0], $0xffff;
	_ =	sdelay $0x4  }
0x70: {  	[tilespmem:v2+s24+$0xFFFFFE80 ss:$0x1] =	vst.idx.msk $0xffff, v3  }
0x71: {  	v3 =	vld.idx.msk [tilespmem:v1+s24+$0xFFFFFF00 ss:$0x1], $0xffff;
	_ =	sdelay $0x4  }
0x72: {  	v58 =	vshll.u32 v3, $0x3  }
0x73: {  	v3 =	vand.u32 $0x7F, v3;
	v4 =	vand.u32 $0xFFFFFC00, v58  }
0x74: {  	v3 =	vor.u32 v3, v4  }
0x75: {  	v3 =	vadd.s32 v0, v3;
	_ =	sdelay $0x4  }
0x76: {  	v3 =	vld.idx.msk [tilespmem:v3+s12+$0x0], $0xffff;
	_ =	sdelay $0x4  }
0x77: {  	[tilespmem:v2+s24+$0xFFFFFF00 ss:$0x1] =	vst.idx.msk $0xffff, v3  }
0x78: {  	v3 =	vld.idx.msk [tilespmem:v1+s24+$0xFFFFFF80 ss:$0x1], $0xffff;
	_ =	sdelay $0x4  }
0x79: {  	v59 =	vshll.u32 v3, $0x3  }
0x7a: {  	v3 =	vand.u32 $0x7F, v3;
	v4 =	vand.u32 $0xFFFFFC00, v59  }
0x7b: {  	v3 =	vor.u32 v3, v4  }
0x7c: {  	v3 =	vadd.s32 v0, v3;
	_ =	sdelay $0x4  }
0x7d: {  	v3 =	vld.idx.msk [tilespmem:v3+s12+$0x0], $0xffff;
	_ =	sdelay $0x4  }
0x7e: {  	[tilespmem:v2+s24+$0xFFFFFF80 ss:$0x1] =	vst.idx.msk $0xffff, v3  }
0x7f: {  	v3 =	vld.idx.msk [tilespmem:v1+s24+$0x0 ss:$0x1], $0xffff;
	_ =	sdelay $0x4  }
0x80: {  	v60 =	vshll.u32 v3, $0x3  }
0x81: {  	v3 =	vand.u32 $0x7F, v3;
	v4 =	vand.u32 $0xFFFFFC00, v60  }
0x82: {  	v3 =	vor.u32 v3, v4  }
0x83: {  	v3 =	vadd.s32 v0, v3;
	_ =	sdelay $0x4  }
0x84: {  	v3 =	vld.idx.msk [tilespmem:v3+s12+$0x0], $0xffff;
	_ =	sdelay $0x4  }
0x85: {  	[tilespmem:v2+s24+$0x0 ss:$0x1] =	vst.idx.msk $0xffff, v3  }
0x86: {  	v3 =	vld.idx.msk [tilespmem:v1+s24+$0x80 ss:$0x1], $0xffff;
	_ =	sdelay $0x4  }
0x87: {  	v61 =	vshll.u32 v3, $0x3  }
0x88: {  	v3 =	vand.u32 $0x7F, v3;
	v4 =	vand.u32 $0xFFFFFC00, v61  }
0x89: {  	v3 =	vor.u32 v3, v4  }
0x8a: {  	v3 =	vadd.s32 v0, v3;
	_ =	sdelay $0x4  }
0x8b: {  	v3 =	vld.idx.msk [tilespmem:v3+s12+$0x0], $0xffff;
	_ =	sdelay $0x4  }
0x8c: {  	[tilespmem:v2+s24+$0x80 ss:$0x1] =	vst.idx.msk $0xffff, v3  }
0x8d: {  	v3 =	vld.idx.msk [tilespmem:v1+s24+$0x100 ss:$0x1], $0xffff;
	_ =	sdelay $0x4  }
0x8e: {  	v62 =	vshll.u32 v3, $0x3  }
0x8f: {  	v3 =	vand.u32 $0x7F, v3;
	v4 =	vand.u32 $0xFFFFFC00, v62  }
0x90: {  	v3 =	vor.u32 v3, v4  }
0x91: {  	v3 =	vadd.s32 v0, v3;
	_ =	sdelay $0x4  }
0x92: {  	v3 =	vld.idx.msk [tilespmem:v3+s12+$0x0], $0xffff;
	_ =	sdelay $0x4  }
0x93: {  	[tilespmem:v2+s24+$0x100 ss:$0x1] =	vst.idx.msk $0xffff, v3  }
0x94: {  	v3 =	vld.idx.msk [tilespmem:v1+s24+$0x180 ss:$0x1], $0xffff;
	_ =	sdelay $0x4  }
0x95: {  	v63 =	vshll.u32 v3, $0x3  }
0x96: {  	v3 =	vand.u32 $0x7F, v3;
	v4 =	vand.u32 $0xFFFFFC00, v63  }
0x97: {  	v3 =	vor.u32 v3, v4  }
0x98: {  	v3 =	vadd.s32 v0, v3;
	_ =	sdelay $0x4  }
0x99: {  	p0 =	sne.s32 s23, $0x18000;
	v3 =	vld.idx.msk [tilespmem:v3+s12+$0x0], $0xffff  }
.Ltmp1:
0x9a: {  	_ = 	snop;
	(pc) =	sbr.rel @p0 .LBB2_5-.Ltmp1, $2  }
0x9b: {  	_ =	sdelay $0x2  }
0x9c: {  	s23 =	sadd.s32 $0x1000, s23;
	[tilespmem:v2+s24+$0x180 ss:$0x1] =	vst.idx.msk $0xffff, v3  }
0x9d: {  	s22 =	sadd.s32 $0x1, s22  }
0x9e: {  	p0 =	sne.s32 s22, $0x4  }
.Ltmp2:
0x9f: {  	_ = 	snop;
	(pc) =	sbr.rel @p0 .LBB2_2-.Ltmp2, $3  }
0xa0: {  	_ =	sdelay $0x1  }
0xa1: {  	s18 =	sadd.s32 $0x20, s18  }
0xa2: {  	s21 =	sadd.s32 $0x20, s21;
	s19 =	sadd.s32 $0x20, s19;
	s20 =	sadd.s32 $0x20, s20  }
0xa3: {  	s17 =	sadd.s32 $0x1, s17  }
0xa4: {  	p0 =	sne.s32 s17, s9  }
.Ltmp3:
0xa5: {  	_ = 	snop;
	(pc) =	sbr.rel @p0 .LBB2_1-.Ltmp3, $4  }
0xa6: {  	[hbm4b:s8+s10] =	stream.strided.scatter [tilespmem:s16], [sflag:$0x3], $0x6400, s15, s10, $0x38;
	[tilespmem:$0x14800] =	vst v63  }
0xa7: {  	_ =	swait.ge [sflag:s11], $0x6400  }
0xa8: {  	[sflag:s11] =	ssyncset.done $0x0  }
0xa9: {  	[sflag:s11] =	ssyncadd.s32 $0xFFFF9C00  }
0xaa: {  	_ =	sfence.sel $0x180000  }
0xab: {  	[bflag:$0x0] =	sbarrier.arrive $0xFFFF  }
0xac: {  	p0 =	sne.s32 s1, $0x0;
	_ =	strace $0x90000047  }
0xad: {  	s0 =	sadd.s32 @!p0 $0x100000, s0;
	[bflag:$0x2] =	sbarrier.arrive $0xFFFF  }
0xae: {  	[sflag:s0] =	ssyncadd.tile.s32 @!p0 $0x1;
	_ =	shalt  }
.Lfunc_end2:
_tile_overlayer_lowered:
.L_overlay_start_2:
0xaf: {  	(tag) =	ssettag $0x2  }
0xb0: {  	s0 =	rddreg [dreg:$0x0];
	s2 =	stileid.u32  }
0xb1: {  	s1 =	rddreg [dreg:$0x1];
	p0 =	sne.s32 s2, $0x0  }
0xb2: {  	s3 =	rddreg [dreg:$0x2];
	[bflag:$0x3] =	sbarrier.arrive $0xFFFF;
	s2 =	simm.s32 @!p0 $0x1C03  }
0xb3: {  	[timem:s3], [sflag:s2] =	dma.local @!p0 [hbm:s0], s1  }
0xb4: {  	s0 =	simm.s32 @!p0 $0x3  }
0xb5: {  	_ =	swait.ge @!p0 [sflag:s0], s1  }
0xb6: {  	s1 =	ssub.s32 @!p0 $0x0, s1;
	[sflag:s0] =	ssyncset.done @!p0 $0x0  }
0xb7: {  	[sflag:s0] =	ssyncadd.s32 @!p0 s1  }
0xb8: {  	[bflag:$0x3] =	sbarrier.arrive $0xFFFF  }
0xb9: {  	_ =	shalt  }

</sc_bundles>
